<compile_context>
chip_gen: v7x
topology: tpu7x:2x2x1
jax: 0.10.2.dev20260603
libtpu: 0.0.44.dev20260713+nightly
codegen_flags: <defaults>
</compile_context>

<pallas_src>
import functools

import jax
import jax.numpy as jnp
from jax import lax
from jax.experimental import pallas as pl
from jax.experimental.pallas import tpu as pltpu
from jax.experimental.pallas import tpu_sc as plsc

NUM_WORDS = 1000000
NUM_LABELS = 100
EMBED_DIM = 32
HIDDEN_DIM = 64
BATCH = 16384

_CW = 65536
_Q = _CW // 4
_SH_CW = _CW.bit_length() - 1
_SH_Q = _Q.bit_length() - 1
_NBLK = pl.cdiv(NUM_WORDS, _CW)
_T2_ROWS = _NBLK * _Q


def _relayout_body(t_ref, o_ref):
    q = _CW // 4
    parts = [t_ref[:, q * a:q * (a + 1)] for a in range(4)]
    v = jnp.concatenate(parts, axis=0)
    o_ref[...] = v.T


def _relayout(tableT):
    return pl.pallas_call(
        _relayout_body,
        grid=(_NBLK,),
        in_specs=[pl.BlockSpec((EMBED_DIM, _CW), lambda i: (0, i))],
        out_specs=pl.BlockSpec((_Q, 128), lambda i: (i, 0)),
        out_shape=jax.ShapeDtypeStruct((_T2_ROWS, 128), jnp.float32),
    )(tableT)


def _make_gather(B: int, D: int):
    info = plsc.get_sparse_core_info()
    NC, NS = info.num_cores, info.num_subcores
    NW = NC * NS
    assert B % (8 * NW) == 0
    b_per_w = B // NW
    mesh = plsc.VectorSubcoreMesh(core_axis_name="c", subcore_axis_name="s")

    @functools.partial(
        pl.kernel,
        mesh=mesh,
        out_type=jax.ShapeDtypeStruct((B, 128), jnp.float32),
        scratch_types=[
            pltpu.VMEM((b_per_w,), jnp.int32),
            pltpu.VMEM((b_per_w,), jnp.int32),
            pltpu.VMEM((b_per_w, D), jnp.float32),
            pltpu.SemaphoreType.DMA,
        ],
        compiler_params=pltpu.CompilerParams(use_tc_tiling_on_sc=False),
    )
    def gather_k(idx_hbm, table_hbm, out_hbm, idx_v, idx2_v, rows_v, sem):
        wid = lax.axis_index("s") * NC + lax.axis_index("c")
        base = wid * b_per_w
        pltpu.sync_copy(idx_hbm.at[pl.ds(base, b_per_w)], idx_v)

        def body(j, _):
            w = idx_v[pl.ds(j * 16, 16)]
            i = lax.shift_right_logical(w, _SH_CW)
            q = lax.bitwise_and(w, _CW - 1)
            a = lax.shift_right_logical(q, _SH_Q)
            r = lax.bitwise_and(q, _Q - 1)
            s = lax.bitwise_or(
                lax.shift_left(i * _Q + r, 2), a)
            idx2_v[pl.ds(j * 16, 16)] = s
            return 0

        lax.fori_loop(0, b_per_w // 16, body, 0, unroll=4)

        pltpu.async_copy(table_hbm.at[idx2_v], rows_v, sem).wait()
        pltpu.sync_copy(rows_v,
                        out_hbm.at[pl.ds(base, b_per_w), pl.ds(0, D)])

    return gather_k


def _mlp_body(e_ref, w1_ref, b1_ref, w2_ref, b2_ref, o_ref):
    e = e_ref[:, :EMBED_DIM]
    ht = lax.dot_general(w1_ref[...], e, (((1,), (1,)), ((), ())),
                         preferred_element_type=jnp.float32)
    ht = jnp.maximum(ht + b1_ref[...], 0.0)
    ot = lax.dot_general(w2_ref[...], ht, (((1,), (0,)), ((), ())),
                         preferred_element_type=jnp.float32)
    o_ref[...] = ot + b2_ref[...]


def _mlp(emb, W1, b1, W2, b2):
    B = emb.shape[0]
    BB = 8192
    grid = (B // BB,)
    out_t = pl.pallas_call(
        _mlp_body,
        grid=grid,
        in_specs=[
            pl.BlockSpec((BB, 128), lambda i: (i, 0)),
            pl.BlockSpec((HIDDEN_DIM, EMBED_DIM), lambda i: (0, 0)),
            pl.BlockSpec((HIDDEN_DIM, 1), lambda i: (0, 0)),
            pl.BlockSpec((NUM_LABELS, HIDDEN_DIM), lambda i: (0, 0)),
            pl.BlockSpec((NUM_LABELS, 1), lambda i: (0, 0)),
        ],
        out_specs=pl.BlockSpec((NUM_LABELS, BB), lambda i: (0, i)),
        out_shape=jax.ShapeDtypeStruct((NUM_LABELS, B), jnp.float32),
    )(emb, W1, b1.reshape(-1, 1), W2, b2.reshape(-1, 1))
    return out_t.T


def kernel(x, table, W1, b1, W2, b2):
    t2 = _relayout(table.T)
    table_lin = t2.reshape(_T2_ROWS * 4, EMBED_DIM)
    gather_k = _make_gather(BATCH, EMBED_DIM)
    emb = gather_k(x.astype(jnp.int32), table_lin)
    return _mlp(emb, W1, b1, W2, b2)

# --- scband reference (transcript-rebuilt; emitter-appended) ---
"""Pipeline reference for scband-word-classifier-87359634801451 (READ-ONLY COPY).

The authoritative reference and input builder live on the scoring server;
editing this copy changes nothing except your own understanding.
"""

import jax, jax.numpy as jnp
import numpy as np

NUM_WORDS = 1000000
NUM_LABELS = 100
EMBED_DIM = 32
HIDDEN_DIM = 64
BATCH = 16384

def setup_inputs(seed: int = 0) -> dict:
    key = jax.random.key(seed)
    k1, k2, k3, k4, k5, k6 = jax.random.split(key, 6)
    x = jax.random.randint(k1, (BATCH,), 0, NUM_WORDS, dtype=jnp.int64 if jax.config.read('jax_enable_x64') else jnp.int32)
    table = jax.random.normal(k2, (NUM_WORDS, EMBED_DIM), dtype=jnp.float32)
    # torch Linear convention: weight [out, in]
    W1 = jax.random.normal(k3, (HIDDEN_DIM, EMBED_DIM), dtype=jnp.float32) * (1.0 / np.sqrt(EMBED_DIM))
    b1 = jax.random.normal(k4, (HIDDEN_DIM,), dtype=jnp.float32) * 0.01
    W2 = jax.random.normal(k5, (NUM_LABELS, HIDDEN_DIM), dtype=jnp.float32) * (1.0 / np.sqrt(HIDDEN_DIM))
    b2 = jax.random.normal(k6, (NUM_LABELS,), dtype=jnp.float32) * 0.01
    return {"x": x, "table": table, "W1": W1, "b1": b1, "W2": W2, "b2": b2}

def reference(x, table, W1, b1, W2, b2):
    # embedding lookup
    embedded = jnp.take(table, x, axis=0)            # [B, embed_dim]
    flattened = embedded.reshape(embedded.shape[0], -1)  # [B, embed_dim]
    hidden = jax.nn.relu(flattened @ W1.T + b1)      # [B, hidden_dim]
    output = hidden @ W2.T + b2                      # [B, num_labels]
    return output

if __name__ == "__main__":
    import jax
    _d = setup_inputs()
    print(jax.jit(kernel)(*tuple(_d.values())))

</pallas_src>

<mosaic_0001>
#map = affine_map<(d0, d1) -> (0)>
#map1 = affine_map<(d0, d1) -> (0, 0)>
module attributes {stable_mosaic.version = 14 : i64} {
  func.func @gather_k(%arg0: i32, %arg1: i32, %arg2: memref<16384xi32, #tpu.memory_space<hbm>>, %arg3: memref<1048576x32xf32, #tpu.memory_space<hbm>>, %arg4: memref<16384x128xf32, #tpu.memory_space<hbm>>, %arg5: memref<512xi32, #tpu.memory_space<vmem>>, %arg6: memref<512xi32, #tpu.memory_space<vmem>>, %arg7: memref<512x32xf32, #tpu.memory_space<vmem>>, %arg8: memref<!tpu.dma_semaphore, #tpu.memory_space<semaphore_mem>>) attributes {dimension_semantics = [#tpu.dimension_semantics<core_parallel>, #tpu.dimension_semantics<subcore_parallel>], iteration_bounds = array<i64: 2, 16>, scalar_prefetch = 0 : i64, scratch_operands = 4 : i64, tpu.core_type = #tpu.core_type<sc_vector_subcore>, window_params = [{transform_indices = #map}, {transform_indices = #map1}, {transform_indices = #map1}]} {
    %mul3A = arith.constant 2 : i32
    %mul3A_0 = arith.muli %arg1, %mul3A : i32
    %add3A = arith.addi %mul3A_0, %arg0 : i32
    %mul3A_1 = arith.constant 512 : i32
    %mul3A_2 = arith.muli %add3A, %mul3A_1 : i32
    "tpu.region"() ({
      %run_scoped3A = tpu.sem_alloc : memref<!tpu.dma_semaphore, #tpu.memory_space<semaphore_mem>>
      %dma_start3A_13 = tpu.memref_slice %arg2[%mul3A_2] : memref<16384xi32, #tpu.memory_space<hbm>> -> memref<512xi32, #tpu.memory_space<hbm>>
      %dma_start3A_14 = tpu.memref_slice %arg2[%mul3A_2] : memref<16384xi32, #tpu.memory_space<hbm>> -> memref<512xi32, #tpu.memory_space<hbm>>
      tpu.enqueue_dma source(%dma_start3A_14 : memref<512xi32, #tpu.memory_space<hbm>>) target(%arg5 : memref<512xi32, #tpu.memory_space<vmem>>) target_semaphore(%run_scoped3A : memref<!tpu.dma_semaphore, #tpu.memory_space<semaphore_mem>>)
      %dma_wait3A_15 = tpu.memref_slice %arg2[%mul3A_2] : memref<16384xi32, #tpu.memory_space<hbm>> -> memref<512xi32, #tpu.memory_space<hbm>>
      %dma_wait3A_16 = tpu.memref_slice %arg2[%mul3A_2] : memref<16384xi32, #tpu.memory_space<hbm>> -> memref<512xi32, #tpu.memory_space<hbm>>
      tpu.wait_dma2 semaphore(%run_scoped3A : memref<!tpu.dma_semaphore, #tpu.memory_space<semaphore_mem>>) src(%dma_wait3A_16 : memref<512xi32, #tpu.memory_space<hbm>>) dst(%arg5 : memref<512xi32, #tpu.memory_space<vmem>>)
      tpu.yield
    }) : () -> ()
    %scan3A = arith.constant 0 : i32
    %scan3A_3 = arith.constant 0 : i32
    %scan3A_4 = arith.constant 32 : i32
    %scan3A_5 = arith.addi %scan3A_3, %scan3A_4 : i32
    %scan3A_6 = arith.constant 4 : i32
    %scan3A_7 = scf.for %scan3A_13 = %scan3A_3 to %scan3A_5 step %scan3A_6 iter_args(%scan3A_14 = %scan3A) -> (i32)  : i32 {
      %mul3A_15 = arith.constant 16 : i32
      %mul3A_16 = arith.muli %scan3A_13, %mul3A_15 : i32
      %get3A = arith.index_cast %mul3A_16 : i32 to index
      %get3A_17 = tpu.vector_load %arg5[%get3A] {strides = array<i32>} : memref<512xi32, #tpu.memory_space<vmem>>, vector<16xi32>,
      %get3A_18 = vector.shape_cast %get3A_17 : vector<16xi32> to vector<16xi32>
      %shift_right_logical3A = arith.constant 16 : i32
      %shift_right_logical3A_19 = vector.broadcast %shift_right_logical3A : i32 to vector<16xi32>
      %shift_right_logical3A_20 = arith.shrui %get3A_18, %shift_right_logical3A_19 : vector<16xi32>
      %and3A = arith.constant 65535 : i32
      %and3A_21 = vector.broadcast %and3A : i32 to vector<16xi32>
      %and3A_22 = arith.andi %get3A_18, %and3A_21 : vector<16xi32>
      %shift_right_logical3A_23 = arith.constant 14 : i32
      %shift_right_logical3A_24 = vector.broadcast %shift_right_logical3A_23 : i32 to vector<16xi32>
      %shift_right_logical3A_25 = arith.shrui %and3A_22, %shift_right_logical3A_24 : vector<16xi32>
      %and3A_26 = arith.constant 16383 : i32
      %and3A_27 = vector.broadcast %and3A_26 : i32 to vector<16xi32>
      %and3A_28 = arith.andi %and3A_22, %and3A_27 : vector<16xi32>
      %mul3A_29 = arith.constant 16384 : i32
      %mul3A_30 = vector.broadcast %mul3A_29 : i32 to vector<16xi32>
      %mul3A_31 = arith.muli %shift_right_logical3A_20, %mul3A_30 : vector<16xi32>
      %add3A_32 = arith.addi %mul3A_31, %and3A_28 : vector<16xi32>
      %shift_left3A = arith.constant 2 : i32
      %shift_left3A_33 = vector.broadcast %shift_left3A : i32 to vector<16xi32>
      %shift_left3A_34 = arith.shli %add3A_32, %shift_left3A_33 : vector<16xi32>
      %or3A = arith.ori %shift_left3A_34, %shift_right_logical3A_25 : vector<16xi32>
      %mul3A_35 = arith.constant 16 : i32
      %mul3A_36 = arith.muli %scan3A_13, %mul3A_35 : i32
      %swap3A = arith.index_cast %mul3A_36 : i32 to index
      %swap3A_37 = tpu.vector_load %arg6[%swap3A] {strides = array<i32>} : memref<512xi32, #tpu.memory_space<vmem>>, vector<16xi32>,
      %swap3A_38 = vector.shape_cast %swap3A_37 : vector<16xi32> to vector<16xi32>
      %swap3A_39 = vector.shape_cast %or3A : vector<16xi32> to vector<16xi32>
      tpu.vector_store %arg6[%swap3A], %swap3A_39 {strides = array<i32>} : memref<512xi32, #tpu.memory_space<vmem>>, vector<16xi32>,
      %scan3A_40 = arith.constant 0 : i32
      %scan3A_41 = arith.constant 1 : i32
      %scan3A_42 = arith.addi %scan3A_13, %scan3A_41 : i32
      %mul3A_43 = arith.constant 16 : i32
      %mul3A_44 = arith.muli %scan3A_42, %mul3A_43 : i32
      %get3A_45 = arith.index_cast %mul3A_44 : i32 to index
      %get3A_46 = tpu.vector_load %arg5[%get3A_45] {strides = array<i32>} : memref<512xi32, #tpu.memory_space<vmem>>, vector<16xi32>,
      %get3A_47 = vector.shape_cast %get3A_46 : vector<16xi32> to vector<16xi32>
      %shift_right_logical3A_48 = arith.constant 16 : i32
      %shift_right_logical3A_49 = vector.broadcast %shift_right_logical3A_48 : i32 to vector<16xi32>
      %shift_right_logical3A_50 = arith.shrui %get3A_47, %shift_right_logical3A_49 : vector<16xi32>
      %and3A_51 = arith.constant 65535 : i32
      %and3A_52 = vector.broadcast %and3A_51 : i32 to vector<16xi32>
      %and3A_53 = arith.andi %get3A_47, %and3A_52 : vector<16xi32>
      %shift_right_logical3A_54 = arith.constant 14 : i32
      %shift_right_logical3A_55 = vector.broadcast %shift_right_logical3A_54 : i32 to vector<16xi32>
      %shift_right_logical3A_56 = arith.shrui %and3A_53, %shift_right_logical3A_55 : vector<16xi32>
      %and3A_57 = arith.constant 16383 : i32
      %and3A_58 = vector.broadcast %and3A_57 : i32 to vector<16xi32>
      %and3A_59 = arith.andi %and3A_53, %and3A_58 : vector<16xi32>
      %mul3A_60 = arith.constant 16384 : i32
      %mul3A_61 = vector.broadcast %mul3A_60 : i32 to vector<16xi32>
      %mul3A_62 = arith.muli %shift_right_logical3A_50, %mul3A_61 : vector<16xi32>
      %add3A_63 = arith.addi %mul3A_62, %and3A_59 : vector<16xi32>
      %shift_left3A_64 = arith.constant 2 : i32
      %shift_left3A_65 = vector.broadcast %shift_left3A_64 : i32 to vector<16xi32>
      %shift_left3A_66 = arith.shli %add3A_63, %shift_left3A_65 : vector<16xi32>
      %or3A_67 = arith.ori %shift_left3A_66, %shift_right_logical3A_56 : vector<16xi32>
      %mul3A_68 = arith.constant 16 : i32
      %mul3A_69 = arith.muli %scan3A_42, %mul3A_68 : i32
      %swap3A_70 = arith.index_cast %mul3A_69 : i32 to index
      %swap3A_71 = tpu.vector_load %arg6[%swap3A_70] {strides = array<i32>} : memref<512xi32, #tpu.memory_space<vmem>>, vector<16xi32>,
      %swap3A_72 = vector.shape_cast %swap3A_71 : vector<16xi32> to vector<16xi32>
      %swap3A_73 = vector.shape_cast %or3A_67 : vector<16xi32> to vector<16xi32>
      tpu.vector_store %arg6[%swap3A_70], %swap3A_73 {strides = array<i32>} : memref<512xi32, #tpu.memory_space<vmem>>, vector<16xi32>,
      %scan3A_74 = arith.constant 0 : i32
      %scan3A_75 = arith.constant 2 : i32
      %scan3A_76 = arith.addi %scan3A_13, %scan3A_75 : i32
      %mul3A_77 = arith.constant 16 : i32
      %mul3A_78 = arith.muli %scan3A_76, %mul3A_77 : i32
      %get3A_79 = arith.index_cast %mul3A_78 : i32 to index
      %get3A_80 = tpu.vector_load %arg5[%get3A_79] {strides = array<i32>} : memref<512xi32, #tpu.memory_space<vmem>>, vector<16xi32>,
      %get3A_81 = vector.shape_cast %get3A_80 : vector<16xi32> to vector<16xi32>
      %shift_right_logical3A_82 = arith.constant 16 : i32
      %shift_right_logical3A_83 = vector.broadcast %shift_right_logical3A_82 : i32 to vector<16xi32>
      %shift_right_logical3A_84 = arith.shrui %get3A_81, %shift_right_logical3A_83 : vector<16xi32>
      %and3A_85 = arith.constant 65535 : i32
      %and3A_86 = vector.broadcast %and3A_85 : i32 to vector<16xi32>
      %and3A_87 = arith.andi %get3A_81, %and3A_86 : vector<16xi32>
      %shift_right_logical3A_88 = arith.constant 14 : i32
      %shift_right_logical3A_89 = vector.broadcast %shift_right_logical3A_88 : i32 to vector<16xi32>
      %shift_right_logical3A_90 = arith.shrui %and3A_87, %shift_right_logical3A_89 : vector<16xi32>
      %and3A_91 = arith.constant 16383 : i32
      %and3A_92 = vector.broadcast %and3A_91 : i32 to vector<16xi32>
      %and3A_93 = arith.andi %and3A_87, %and3A_92 : vector<16xi32>
      %mul3A_94 = arith.constant 16384 : i32
      %mul3A_95 = vector.broadcast %mul3A_94 : i32 to vector<16xi32>
      %mul3A_96 = arith.muli %shift_right_logical3A_84, %mul3A_95 : vector<16xi32>
      %add3A_97 = arith.addi %mul3A_96, %and3A_93 : vector<16xi32>
      %shift_left3A_98 = arith.constant 2 : i32
      %shift_left3A_99 = vector.broadcast %shift_left3A_98 : i32 to vector<16xi32>
      %shift_left3A_100 = arith.shli %add3A_97, %shift_left3A_99 : vector<16xi32>
      %or3A_101 = arith.ori %shift_left3A_100, %shift_right_logical3A_90 : vector<16xi32>
      %mul3A_102 = arith.constant 16 : i32
      %mul3A_103 = arith.muli %scan3A_76, %mul3A_102 : i32
      %swap3A_104 = arith.index_cast %mul3A_103 : i32 to index
      %swap3A_105 = tpu.vector_load %arg6[%swap3A_104] {strides = array<i32>} : memref<512xi32, #tpu.memory_space<vmem>>, vector<16xi32>,
      %swap3A_106 = vector.shape_cast %swap3A_105 : vector<16xi32> to vector<16xi32>
      %swap3A_107 = vector.shape_cast %or3A_101 : vector<16xi32> to vector<16xi32>
      tpu.vector_store %arg6[%swap3A_104], %swap3A_107 {strides = array<i32>} : memref<512xi32, #tpu.memory_space<vmem>>, vector<16xi32>,
      %scan3A_108 = arith.constant 0 : i32
      %scan3A_109 = arith.constant 3 : i32
      %scan3A_110 = arith.addi %scan3A_13, %scan3A_109 : i32
      %mul3A_111 = arith.constant 16 : i32
      %mul3A_112 = arith.muli %scan3A_110, %mul3A_111 : i32
      %get3A_113 = arith.index_cast %mul3A_112 : i32 to index
      %get3A_114 = tpu.vector_load %arg5[%get3A_113] {strides = array<i32>} : memref<512xi32, #tpu.memory_space<vmem>>, vector<16xi32>,
      %get3A_115 = vector.shape_cast %get3A_114 : vector<16xi32> to vector<16xi32>
      %shift_right_logical3A_116 = arith.constant 16 : i32
      %shift_right_logical3A_117 = vector.broadcast %shift_right_logical3A_116 : i32 to vector<16xi32>
      %shift_right_logical3A_118 = arith.shrui %get3A_115, %shift_right_logical3A_117 : vector<16xi32>
      %and3A_119 = arith.constant 65535 : i32
      %and3A_120 = vector.broadcast %and3A_119 : i32 to vector<16xi32>
      %and3A_121 = arith.andi %get3A_115, %and3A_120 : vector<16xi32>
      %shift_right_logical3A_122 = arith.constant 14 : i32
      %shift_right_logical3A_123 = vector.broadcast %shift_right_logical3A_122 : i32 to vector<16xi32>
      %shift_right_logical3A_124 = arith.shrui %and3A_121, %shift_right_logical3A_123 : vector<16xi32>
      %and3A_125 = arith.constant 16383 : i32
      %and3A_126 = vector.broadcast %and3A_125 : i32 to vector<16xi32>
      %and3A_127 = arith.andi %and3A_121, %and3A_126 : vector<16xi32>
      %mul3A_128 = arith.constant 16384 : i32
      %mul3A_129 = vector.broadcast %mul3A_128 : i32 to vector<16xi32>
      %mul3A_130 = arith.muli %shift_right_logical3A_118, %mul3A_129 : vector<16xi32>
      %add3A_131 = arith.addi %mul3A_130, %and3A_127 : vector<16xi32>
      %shift_left3A_132 = arith.constant 2 : i32
      %shift_left3A_133 = vector.broadcast %shift_left3A_132 : i32 to vector<16xi32>
      %shift_left3A_134 = arith.shli %add3A_131, %shift_left3A_133 : vector<16xi32>
      %or3A_135 = arith.ori %shift_left3A_134, %shift_right_logical3A_124 : vector<16xi32>
      %mul3A_136 = arith.constant 16 : i32
      %mul3A_137 = arith.muli %scan3A_110, %mul3A_136 : i32
      %swap3A_138 = arith.index_cast %mul3A_137 : i32 to index
      %swap3A_139 = tpu.vector_load %arg6[%swap3A_138] {strides = array<i32>} : memref<512xi32, #tpu.memory_space<vmem>>, vector<16xi32>,
      %swap3A_140 = vector.shape_cast %swap3A_139 : vector<16xi32> to vector<16xi32>
      %swap3A_141 = vector.shape_cast %or3A_135 : vector<16xi32> to vector<16xi32>
      tpu.vector_store %arg6[%swap3A_138], %swap3A_141 {strides = array<i32>} : memref<512xi32, #tpu.memory_space<vmem>>, vector<16xi32>,
      %scan3A_142 = arith.constant 0 : i32
      scf.yield %scan3A_142 : i32
    }
    %scan3A_8 = arith.constant 32 : i32
    %dma_start3A = arith.constant 0 : i32
    %dma_start3A_9 = arith.constant 0 : i32
    %dma_start3A_10 = tpu.memref_slice %arg3[%dma_start3A, %dma_start3A_9] : memref<1048576x32xf32, #tpu.memory_space<hbm>> -> memref<1048576x32xf32, #tpu.memory_space<hbm>>
    tpu.enqueue_indirect_dma source(%dma_start3A_10 : memref<1048576x32xf32, #tpu.memory_space<hbm>>) target(%arg7 : memref<512x32xf32, #tpu.memory_space<vmem>>) offsets(%arg6 : memref<512xi32, #tpu.memory_space<vmem>>) semaphore(%arg8 : memref<!tpu.dma_semaphore, #tpu.memory_space<semaphore_mem>>)
    %dma_wait3A = arith.constant 0 : i32
    %dma_wait3A_11 = arith.constant 0 : i32
    %dma_wait3A_12 = tpu.memref_slice %arg3[%dma_wait3A, %dma_wait3A_11] : memref<1048576x32xf32, #tpu.memory_space<hbm>> -> memref<1048576x32xf32, #tpu.memory_space<hbm>>
    tpu.wait_indirect_dma semaphore(%arg8 : memref<!tpu.dma_semaphore, #tpu.memory_space<semaphore_mem>>) src(%dma_wait3A_12 : memref<1048576x32xf32, #tpu.memory_space<hbm>>) dst(%arg7 : memref<512x32xf32, #tpu.memory_space<vmem>>)
    "tpu.region"() ({
      %run_scoped3A = tpu.sem_alloc : memref<!tpu.dma_semaphore, #tpu.memory_space<semaphore_mem>>
      %dma_start3A_13 = arith.constant 0 : i32
      %dma_start3A_14 = tpu.memref_slice %arg4[%mul3A_2, %dma_start3A_13] : memref<16384x128xf32, #tpu.memory_space<hbm>> -> memref<512x32xf32, #tpu.memory_space<hbm>>
      %dma_start3A_15 = arith.constant 0 : i32
      %dma_start3A_16 = tpu.memref_slice %arg4[%mul3A_2, %dma_start3A_15] : memref<16384x128xf32, #tpu.memory_space<hbm>> -> memref<512x32xf32, #tpu.memory_space<hbm>>
      tpu.enqueue_dma source(%arg7 : memref<512x32xf32, #tpu.memory_space<vmem>>) target(%dma_start3A_16 : memref<512x32xf32, #tpu.memory_space<hbm>>) target_semaphore(%run_scoped3A : memref<!tpu.dma_semaphore, #tpu.memory_space<semaphore_mem>>)
      %dma_wait3A_17 = arith.constant 0 : i32
      %dma_wait3A_18 = tpu.memref_slice %arg4[%mul3A_2, %dma_wait3A_17] : memref<16384x128xf32, #tpu.memory_space<hbm>> -> memref<512x32xf32, #tpu.memory_space<hbm>>
      %dma_wait3A_19 = arith.constant 0 : i32
      %dma_wait3A_20 = tpu.memref_slice %arg4[%mul3A_2, %dma_wait3A_19] : memref<16384x128xf32, #tpu.memory_space<hbm>> -> memref<512x32xf32, #tpu.memory_space<hbm>>
      tpu.wait_dma2 semaphore(%run_scoped3A : memref<!tpu.dma_semaphore, #tpu.memory_space<semaphore_mem>>) src(%arg7 : memref<512x32xf32, #tpu.memory_space<vmem>>) dst(%dma_wait3A_20 : memref<512x32xf32, #tpu.memory_space<hbm>>)
      tpu.yield
    }) : () -> ()
    return
  }
}

module attributes {stable_mosaic.version = 14 : i64} {
  func.func @_mlp_body(%arg0: i32, %arg1: memref<8192x128xf32, #tpu.memory_space<vmem>>, %arg2: memref<64x32xf32, #tpu.memory_space<vmem>>, %arg3: memref<64x1xf32, #tpu.memory_space<vmem>>, %arg4: memref<100x64xf32, #tpu.memory_space<vmem>>, %arg5: memref<100x1xf32, #tpu.memory_space<vmem>>, %arg6: memref<100x8192xf32, #tpu.memory_space<vmem>>) attributes {dimension_semantics = [#tpu.dimension_semantics<arbitrary>], iteration_bounds = array<i64: 2>, scalar_prefetch = 0 : i64, scratch_operands = 0 : i64, tpu.core_type = #tpu.core_type<tc>, window_params = [{transform_indices = @transform_0, window_bounds = array<i64: 8192, 128>}, {pipeline_mode = #tpu.pipeline_mode<synchronous>, transform_indices = @transform_1, window_bounds = array<i64: 64, 32>}, {pipeline_mode = #tpu.pipeline_mode<synchronous>, transform_indices = @transform_2, window_bounds = array<i64: 64, 1>}, {pipeline_mode = #tpu.pipeline_mode<synchronous>, transform_indices = @transform_3, window_bounds = array<i64: 100, 64>}, {pipeline_mode = #tpu.pipeline_mode<synchronous>, transform_indices = @transform_4, window_bounds = array<i64: 100, 1>}, {transform_indices = @transform_5, window_bounds = array<i64: 100, 8192>}]} {
    %get3A = arith.constant 0 : index
    %get3A_0 = arith.constant 0 : index
    %get3A_1 = vector.load %arg1[%get3A, %get3A_0] : memref<8192x128xf32, #tpu.memory_space<vmem>>, vector<8192x32xf32>
    %get3A_2 = arith.constant 0 : index
    %get3A_3 = arith.constant 0 : index
    %get3A_4 = vector.load %arg2[%get3A_2, %get3A_3] : memref<64x32xf32, #tpu.memory_space<vmem>>, vector<64x32xf32>
    %dot_general3A = arith.constant dense<0.000000e+00> : vector<64x8192xf32>
    %dot_general3A_5 = tpu.matmul %get3A_4, %get3A_1, %dot_general3A {dimension_numbers = #tpu.dot_dimension_numbers<[1], [1], [0], [0], [0, 0, 1, 0], [], []>, transpose_lhs_hint = false} : vector<64x32xf32>, vector<8192x32xf32>, vector<64x8192xf32> -> vector<64x8192xf32>
    %get3A_6 = arith.constant 0 : index
    %get3A_7 = arith.constant 0 : index
    %get3A_8 = vector.load %arg3[%get3A_6, %get3A_7] : memref<64x1xf32, #tpu.memory_space<vmem>>, vector<64x1xf32>
    %add3A = vector.broadcast %get3A_8 : vector<64x1xf32> to vector<64x8192xf32>
    %add3A_9 = arith.addf %dot_general3A_5, %add3A : vector<64x8192xf32>
    %max3A = arith.constant 0.000000e+00 : f32
    %max3A_10 = vector.broadcast %max3A : f32 to vector<64x8192xf32>
    %max3A_11 = arith.maximumf %add3A_9, %max3A_10 : vector<64x8192xf32>
    %get3A_12 = arith.constant 0 : index
    %get3A_13 = arith.constant 0 : index
    %get3A_14 = vector.load %arg4[%get3A_12, %get3A_13] : memref<100x64xf32, #tpu.memory_space<vmem>>, vector<100x64xf32>
    %dot_general3A_15 = arith.constant dense<0.000000e+00> : vector<100x8192xf32>
    %dot_general3A_16 = tpu.matmul %get3A_14, %max3A_11, %dot_general3A_15 {dimension_numbers = #tpu.dot_dimension_numbers<[1], [0], [0], [1], [0, 0, 1, 1], [], []>, transpose_lhs_hint = false} : vector<100x64xf32>, vector<64x8192xf32>, vector<100x8192xf32> -> vector<100x8192xf32>
    %get3A_17 = arith.constant 0 : index
    %get3A_18 = arith.constant 0 : index
    %get3A_19 = vector.load %arg5[%get3A_17, %get3A_18] : memref<100x1xf32, #tpu.memory_space<vmem>>, vector<100x1xf32>
    %add3A_20 = vector.broadcast %get3A_19 : vector<100x1xf32> to vector<100x8192xf32>
    %add3A_21 = arith.addf %dot_general3A_16, %add3A_20 : vector<100x8192xf32>
    %swap3A = arith.constant 0 : index
    %swap3A_22 = arith.constant 0 : index
    %swap3A_23 = vector.load %arg6[%swap3A, %swap3A_22] : memref<100x8192xf32, #tpu.memory_space<vmem>>, vector<100x8192xf32>
    tpu.vector_store %arg6[%swap3A, %swap3A_22], %add3A_21 {strides = array<i32>} : memref<100x8192xf32, #tpu.memory_space<vmem>>, vector<100x8192xf32>,
    return
  }
  func.func @transform_0(%arg0: i32) -> (i32, i32) {
    %c0_i32 = arith.constant 0 : i32
    %c0_i32_0 = arith.constant 0 : i32
    return %arg0, %c0_i32 : i32, i32
  }
  func.func @transform_1(%arg0: i32) -> (i32, i32) {
    %c0_i32 = arith.constant 0 : i32
    %c0_i32_0 = arith.constant 0 : i32
    %c0_i32_1 = arith.constant 0 : i32
    return %c0_i32, %c0_i32_0 : i32, i32
  }
  func.func @transform_2(%arg0: i32) -> (i32, i32) {
    %c0_i32 = arith.constant 0 : i32
    %c0_i32_0 = arith.constant 0 : i32
    %c0_i32_1 = arith.constant 0 : i32
    return %c0_i32, %c0_i32_0 : i32, i32
  }
  func.func @transform_3(%arg0: i32) -> (i32, i32) {
    %c0_i32 = arith.constant 0 : i32
    %c0_i32_0 = arith.constant 0 : i32
    %c0_i32_1 = arith.constant 0 : i32
    return %c0_i32, %c0_i32_0 : i32, i32
  }
  func.func @transform_4(%arg0: i32) -> (i32, i32) {
    %c0_i32 = arith.constant 0 : i32
    %c0_i32_0 = arith.constant 0 : i32
    %c0_i32_1 = arith.constant 0 : i32
    return %c0_i32, %c0_i32_0 : i32, i32
  }
  func.func @transform_5(%arg0: i32) -> (i32, i32) {
    %c0_i32 = arith.constant 0 : i32
    %c0_i32_0 = arith.constant 0 : i32
    return %c0_i32, %arg0 : i32, i32
  }
}

module attributes {stable_mosaic.version = 14 : i64} {
  func.func @_relayout_body(%arg0: i32, %arg1: memref<32x65536xf32, #tpu.memory_space<vmem>>, %arg2: memref<16384x128xf32, #tpu.memory_space<vmem>>) attributes {dimension_semantics = [#tpu.dimension_semantics<arbitrary>], iteration_bounds = array<i64: 16>, scalar_prefetch = 0 : i64, scratch_operands = 0 : i64, tpu.core_type = #tpu.core_type<tc>, window_params = [{transform_indices = @transform_0, window_bounds = array<i64: 32, 65536>}, {transform_indices = @transform_1, window_bounds = array<i64: 16384, 128>}]} {
    %get3A = arith.constant 0 : index
    %get3A_0 = arith.constant 0 : index
    %get3A_1 = vector.load %arg1[%get3A, %get3A_0] : memref<32x65536xf32, #tpu.memory_space<vmem>>, vector<32x16384xf32>
    %get3A_2 = arith.constant 0 : index
    %get3A_3 = arith.constant 16384 : index
    %get3A_4 = vector.load %arg1[%get3A_2, %get3A_3] : memref<32x65536xf32, #tpu.memory_space<vmem>>, vector<32x16384xf32>
    %get3A_5 = arith.constant 0 : index
    %get3A_6 = arith.constant 32768 : index
    %get3A_7 = vector.load %arg1[%get3A_5, %get3A_6] : memref<32x65536xf32, #tpu.memory_space<vmem>>, vector<32x16384xf32>
    %get3A_8 = arith.constant 0 : index
    %get3A_9 = arith.constant 49152 : index
    %get3A_10 = vector.load %arg1[%get3A_8, %get3A_9] : memref<32x65536xf32, #tpu.memory_space<vmem>>, vector<32x16384xf32>
    %concatenate3A = tpu.concatenate %get3A_1, %get3A_4, %get3A_7, %get3A_10 in 0 : vector<32x16384xf32>, vector<32x16384xf32>, vector<32x16384xf32>, vector<32x16384xf32> -> vector<128x16384xf32>
    %transpose3A = tpu.transpose %concatenate3A, [1, 0] : vector<128x16384xf32> -> vector<16384x128xf32>
    %swap3A = arith.constant 0 : index
    %swap3A_11 = arith.constant 0 : index
    %swap3A_12 = vector.load %arg2[%swap3A, %swap3A_11] : memref<16384x128xf32, #tpu.memory_space<vmem>>, vector<16384x128xf32>
    tpu.vector_store %arg2[%swap3A, %swap3A_11], %transpose3A {strides = array<i32>} : memref<16384x128xf32, #tpu.memory_space<vmem>>, vector<16384x128xf32>,
    return
  }
  func.func @transform_0(%arg0: i32) -> (i32, i32) {
    %c0_i32 = arith.constant 0 : i32
    %c0_i32_0 = arith.constant 0 : i32
    return %c0_i32, %arg0 : i32, i32
  }
  func.func @transform_1(%arg0: i32) -> (i32, i32) {
    %c0_i32 = arith.constant 0 : i32
    %c0_i32_0 = arith.constant 0 : i32
    return %arg0, %c0_i32 : i32, i32
  }
}

</mosaic_0001>

<sc_bundles>
// kernel: kernel.5.cloned.1.call-start
scs
__scs_entry_jumppad:
0x0: {  	(pc) =	sbr.rel $0x88, $3  }
0x1: {  	(tag) =	ssettag $0x0;
	lr =	simm.s32 $0x1  }
0x2: {  	[smem:$0x3F9B] =	sst lr;
	_ =	strace $0xD0000000  }
0x3: {  	_ = 	snop  }
0x4: {  	_ = 	snop  }
0x5: {  	_ = 	snop  }
0x6: {  	_ = 	snop  }
0x7: {  	_ = 	snop  }
__scs_overlays_trampoline_lowered:
0x8: {  	[smem:$0x3FAA] =	sst s0  }
0x9: {  	[smem:$0x3FAB] =	sst s1  }
0xa: {  	[smem:$0x3FAC] =	sst s2  }
0xb: {  	[smem:$0x3FAD] =	sst s3  }
0xc: {  	[smem:$0x3FAE] =	sst s4  }
0xd: {  	[smem:$0x3FAF] =	sst s5  }
0xe: {  	[smem:$0x3FB0] =	sst s6  }
0xf: {  	[smem:$0x3FB1] =	sst s7  }
0x10: {  	[smem:$0x3FB2] =	sst s8  }
0x11: {  	[smem:$0x3FB3] =	sst s9;
	s0 =	simm.s32 @!p0 $0x0  }
0x12: {  	s1 =	sld [smem:$0x3F99];
	s0 =	simm.s32 @p0 $0x1  }
0x13: {  	[smem:$0x3FB4] =	sst s0;
	s0 =	simm.s32 @!p1 $0x0  }
0x14: {  	s2 =	sld [smem:$0x3F98];
	s0 =	simm.s32 @p1 $0x1  }
0x15: {  	[smem:$0x3FB5] =	sst s0;
	s0 =	simm.s32 @!p2 $0x0  }
0x16: {  	s3 =	sld [smem:$0x3FDB];
	s0 =	simm.s32 @p2 $0x1  }
0x17: {  	s4 =	simm.s32 $0x1BF5;
	[smem:$0x3FB7] =	sst s0  }
0x18: {  	s0 =	sld [smem:$0x3F9A];
	_ =	swait.ge [sflag:s4], $0x0  }
0x19: {  	s7 =	sld [smem:$0x3F9B]  }
0x1a: {  	s8 =	sadd.s32 $0xFFFFE003, lr  }
0x1b: {  	s9 =	sadd.s32 $0xFFFFFEF7, lr;
	s5 =	simm.s32 $0xFFFFFFFF;
	p2 =	slt.u32 s8, $0xFFFFF086  }
0x1c: {  	p1 =	slt.u32 s9, $0xF7A;
	s5 =	simm.s32 @!p2 $0x0  }
0x1d: {  	s5 =	simm.s32 @p1 $0x1;
	p0 =	seq.s32 s7, s2  }
0x1e: {  	s7 =	smul.u32 @!p0 $0xF7A, s2;
	p2 =	seq.s32 @!p0 s5, $0x0  }
0x1f: {  	s9 =	smul.u32 $0xF7A, s1;
	s8 =	simm.s32 @!p0 $0x1BF5;
	p2 =	por !p2, p0  }
0x20: {  	[sflag:s8] =	ssyncset.s32 @!p0 $0xFFFFF086;
	s6 =	sadd.s32 @!p0 s3, s7;
	s7 =	simm.s32 @!p0 $0x108  }
0x21: {  	s3 =	sadd.s32 s3, s9;
	s6 =	sadd.s32 @!p0 $0x88, s6;
	s7 =	simm.s32 @p2 $0x1082  }
0x22: {  	[simem:s7], [sflag:s8] =	dma.local @!p0 [hbm:s6], $0xF7A  }
0x23: {  	s9 =	sor.u32 $0xD0000000, s2;
	s6 =	simm.s32 $0x108;
	_ =	swait.ge @!p0 [sflag:s8], $0x0  }
0x24: {  	s3 =	sadd.s32 $0x88, s3;
	s6 =	simm.s32 @!p1 $0x1082;
	[sflag:s4] =	ssyncset.s32 $0xFFFFF086  }
0x25: {  	[simem:s6], [sflag:s4] =	dma.local [hbm:s3], $0xF7A  }
0x26: {  	[smem:$0x3F9B] =	sst s1;
	(tag) =	ssettag s2;
	_ =	strace s9  }
0x27: {  	s1 =	sld [smem:$0x3FAB]  }
0x28: {  	s2 =	sld [smem:$0x3FAC]  }
0x29: {  	s4 =	sld [smem:$0x3FAE]  }
0x2a: {  	p0 =	seq.s32 s5, $0x0;
	s5 =	sld [smem:$0x3FAF]  }
0x2b: {  	s6 =	sld [smem:$0x3FB0]  }
0x2c: {  	s7 =	sld [smem:$0x3FB1]  }
0x2d: {  	s3 =	simm.s32 $0x108;
	s8 =	sld [smem:$0x3FB2]  }
0x2e: {  	s3 =	simm.s32 @!p0 $0x1082;
	s9 =	sld [smem:$0x3FB3]  }
0x2f: {  	lr =	sadd.s32 s0, s3;
	s0 =	sld [smem:$0x3FAA]  }
0x30: {  	s3 =	sld [smem:$0x3FAD]  }
0x31: {  	[smem:$0x3FB6] =	sst s10  }
0x32: {  	s10 =	sld [smem:$0x3FB4];
	_ =	sdelay $0x3  }
0x33: {  	p0 =	seq.s32 s10, $0x1;
	s10 =	sld [smem:$0x3FB6];
	_ =	sdelay $0x3  }
0x34: {  	[smem:$0x3FB6] =	sst s10  }
0x35: {  	s10 =	sld [smem:$0x3FB5];
	_ =	sdelay $0x3  }
0x36: {  	p1 =	seq.s32 s10, $0x1;
	s10 =	sld [smem:$0x3FB6];
	_ =	sdelay $0x3  }
0x37: {  	[smem:$0x3FB6] =	sst s10  }
0x38: {  	s10 =	sld [smem:$0x3FB7]  }
0x39: {  	_ = 	snop;
	(pc) =	sbr.ind lr, $3  }
0x3a: {  	_ = 	snop  }
0x3b: {  	_ = 	snop  }
0x3c: {  	p2 =	seq.s32 s10, $0x1;
	s10 =	sld [smem:$0x3FB6]  }
0x3d: {  	_ =	shalt  }
0x3e: {  	_ =	shalt  }
0x3f: {  	_ =	shalt  }
0x40: {  	_ =	shalt  }
0x41: {  	_ =	shalt  }
0x42: {  	_ =	shalt  }
0x43: {  	_ =	shalt  }
0x44: {  	_ =	shalt  }
0x45: {  	_ =	shalt  }
0x46: {  	_ =	shalt  }
0x47: {  	_ =	shalt  }
0x48: {  	_ =	shalt  }
0x49: {  	_ =	shalt  }
0x4a: {  	_ =	shalt  }
0x4b: {  	_ =	shalt  }
0x4c: {  	_ =	shalt  }
0x4d: {  	_ =	shalt  }
0x4e: {  	_ =	shalt  }
0x4f: {  	_ =	shalt  }
0x50: {  	_ =	shalt  }
0x51: {  	_ =	shalt  }
0x52: {  	_ =	shalt  }
0x53: {  	_ =	shalt  }
0x54: {  	_ =	shalt  }
0x55: {  	_ =	shalt  }
0x56: {  	_ =	shalt  }
0x57: {  	_ =	shalt  }
0x58: {  	_ =	shalt  }
0x59: {  	_ =	shalt  }
0x5a: {  	_ =	shalt  }
0x5b: {  	_ =	shalt  }
0x5c: {  	_ =	shalt  }
0x5d: {  	_ =	shalt  }
0x5e: {  	_ =	shalt  }
0x5f: {  	_ =	shalt  }
0x60: {  	_ =	shalt  }
0x61: {  	_ =	shalt  }
0x62: {  	_ =	shalt  }
0x63: {  	_ =	shalt  }
0x64: {  	_ =	shalt  }
0x65: {  	_ =	shalt  }
0x66: {  	_ =	shalt  }
0x67: {  	_ =	shalt  }
0x68: {  	_ =	shalt  }
0x69: {  	_ =	shalt  }
0x6a: {  	_ =	shalt  }
0x6b: {  	_ =	shalt  }
0x6c: {  	_ =	shalt  }
0x6d: {  	_ =	shalt  }
0x6e: {  	_ =	shalt  }
0x6f: {  	_ =	shalt  }
0x70: {  	_ =	shalt  }
0x71: {  	_ =	shalt  }
0x72: {  	_ =	shalt  }
0x73: {  	_ =	shalt  }
0x74: {  	_ =	shalt  }
0x75: {  	_ =	shalt  }
0x76: {  	_ =	shalt  }
0x77: {  	_ =	shalt  }
0x78: {  	_ =	shalt  }
0x79: {  	_ =	shalt  }
0x7a: {  	_ =	shalt  }
0x7b: {  	_ =	shalt  }
0x7c: {  	_ =	shalt  }
0x7d: {  	_ =	shalt  }
0x7e: {  	_ =	shalt  }
0x7f: {  	_ =	shalt  }
0x80: {  	_ =	shalt  }
0x81: {  	_ =	shalt  }
0x82: {  	_ =	shalt  }
0x83: {  	_ =	shalt  }
0x84: {  	_ =	shalt  }
0x85: {  	_ =	shalt  }
0x86: {  	_ =	shalt  }
0x87: {  	_ =	shalt  }
.Lfunc_end0:
.L_simem_size_0:
called_computation_lowered:
.L_overlay_start_0:
0x88: {  	s2 =	sld [smem:$0x3FD9]  }
0x89: {  	s3 =	sld [smem:$0x3FFE];
	_ =	sdelay $0x1  }
0x8a: {  	s1 =	srdreg.scid  }
0x8b: {  	s0 =	sand.u32 $0x1, s1  }
0x8c: {  	s17 =	sshll.u32 s0, $0xA;
	s2 =	sadd.s32 s3, s2  }
0x8d: {  	s2 =	sadd.s32 s2, s17  }
0x8e: {  	[smem:$0x3FC2] =	sst s2  }
0x8f: {  	_ = 	snop  }
0x90: {  	s2 =	sld [smem:$0x3FC9];
	(tm) =	ssettm $0x1  }
0x91: {  	s18 =	sld [smem:$0x3FFB];
	_ =	sdelay $0x3  }
0x92: {  	_ =	strace s18  }
0x93: {  	s3 =	sld [smem:$0x3FFC];
	_ =	sdelay $0x3  }
0x94: {  	_ =	strace s3  }
0x95: {  	s3 =	sld [smem:$0x3FFD];
	_ =	sdelay $0x3  }
0x96: {  	_ =	strace s3  }
0x97: {  	_ =	strace $0x8FFFFFFF  }
0x98: {  	s19 =	sld [smem:$0x3FDB];
	_ =	sdelay $0x1  }
0x99: {  	s4 =	simm.s32 $_scs_section_size  }
0x9a: {  	s5 =	simm.s32 $_size__tile_overlayer_lowered;
	s6 =	simm.s32 $_tile_overlayer_lowered  }
0x9b: {  	s22 =	simm.s32 $0x1BFF;
	s21 =	sshll.u32 s6, $0x1;
	s3 =	sadd.s32 s4, s19  }
0x9c: {  	s7 =	simm.s32 $0x0;
	s20 =	sshll.u32 s5, $0x1;
	s5 =	sadd.s32 s21, s3  }
0x9d: {  	[timem:s7], [sflag:s22] =	dma.local [hbm:s5], s20  }
0x9e: {  	_ =	swait.ge [sflag:s22], s20  }
0x9f: {  	s4 =	ssub.s32 $0x0, s20;
	[sflag:s22] =	ssyncset.done $0x0  }
0xa0: {  	[sflag:s22] =	ssyncadd.s32 s4;
	_ =	sdelay $0x1  }
0xa1: {  	s23 =	simm.s32 $0x1B8B  }
0xa2: {  	_ =	swait.ge [sflag:s23], $0x1  }
0xa3: {  	[sflag:s23] =	ssyncset.done $0x0  }
0xa4: {  	s25 =	simm.s32 $0x1B8E;
	s24 =	sld [smem:$0x3FFE];
	[sflag:s23] =	ssyncadd.s32 $0xFFFFFFFF  }
0xa5: {  	s26 =	simm.s32 $execute0_lowered;
	[smem:$0x3FD2] =	sst s25  }
0xa6: {  	s5 =	sshll.u32 s26, $0x1;
	_ =	strace $0x80000046;
	[dreg:$0x1] =	wrdreg $0xFFFFFFFF  }
0xa7: {  	s28 =	simm.s32 $_size_execute0_lowered;
	s3 =	sadd.s32 s3, s5;
	[dreg:$0x0] =	wrdreg $0x0  }
0xa8: {  	s5 =	sshll.u32 s28, $0x1;
	[dreg:$0x2] =	wrdreg s3  }
0xa9: {  	[dreg:$0x3] =	wrdreg s5  }
0xaa: {  	[dreg:$0x4] =	wrdreg $0xC0  }
0xab: {  	_ =	task [dreg:s7], $0x5FFFF  }
0xac: {  	[dreg:$0x1] =	wrdreg $0xFFFFFFFF  }
0xad: {  	[dreg:$0x0] =	wrdreg $0x60  }
0xae: {  	[dreg:$0x2] =	wrdreg s2  }
0xaf: {  	[dreg:$0x3] =	wrdreg s24  }
0xb0: {  	[dreg:$0x4] =	wrdreg $0x9  }
0xb1: {  	_ =	task.clear_ibuf [dreg:s7], $0x5FFFF;
	_ =	strace $0x90000046  }
0xb2: {  	s29 =	simm.s32 $0x9;
	_ =	strace $0x80000048  }
0xb3: {  	_ =	swait.ge [sflag:s29], $0x1  }
0xb4: {  	[sflag:s29] =	ssyncadd.s32 $0xFFFFFFFF  }
0xb5: {  	_ =	strace $0x90000048  }
0xb6: {  	_ =	sfence  }
0xb7: {  	s30 =	sld [smem:$0x0];
	_ =	sdelay $0x2  }
0xb8: {  	s31 =	sshll.u32 s1, $0xD;
	s1 =	sshrl.u32 s1, $0x2  }
0xb9: {  	s3 =	sand.u32 $0x4000, s31;
	s1 =	sadd.s32 s1, s30  }
0xba: {  	s0 =	sor.u32 s3, s0;
	s1 =	sshll.u32 s1, $0x11  }
0xbb: {  	s0 =	sor.u32 s1, s0  }
0xbc: {  	s0 =	sadd.s32 $0x8F2B, s0  }
0xbd: {  	[sflag:s0] =	ssyncadd.remote.s32 $0x1  }
0xbe: {  	_ =	sfence.sel $0xFFFF  }
0xbf: {  	[dreg:$0x0] =	wrdreg $0xFFFFFFFF;
	(pc) =	sbr.abs _section_cstart, $3  }
0xc0: {  	[dreg:$0x1] =	wrdreg $0xFFFFFFFF  }
0xc1: {  	_ =	task.clear_ibuf [dreg:s7], $0x2FFFF;
	_ =	strace $0x9FFFFFFF  }
0xc2: {  	(tm) =	ssettm $0x7FFFFFFF  }
0xc3: {  	_ =	shalt  }
tec
execute0_lowered:
.L_overlay_start_1:
0x0: {  	(tag) =	ssettag $0x1  }
0x1: {  	s4 =	rddreg [dreg:$0x0]  }
0x2: {  	s5 =	rddreg [dreg:$0x1]  }
0x3: {  	s0 =	rddreg [dreg:$0x2];
	s2 =	simm.s32 $0x0;
	s3 =	srdreg.scid  }
0x4: {  	s1 =	stileid.u32;
	s10 =	simm.s32 $0x1;
	s11 =	simm.s32 $0x20  }
0x5: {  	s12 =	simm.s32 $0x80;
	s13 =	simm.s32 $0x0;
	s6 =	sand.u32 $0x1, s3  }
0x6: {  	[smem:$0x7FF] =	sst s2;
	s7 =	sshll.u32 s1, $0xA;
	s8 =	sshll.u32 s6, $0x9  }
0x7: {  	s3 =	sadd.s32 $0xE00, s5;
	s6 =	ssub.s32 $0x2, s6;
	s7 =	sor.u32 s8, s7  }
0x8: {  	_ =	strace $0x80000047;
	s9 =	sshrl.u32 s6, $0x1;
	s8 =	sshll.u32 s7, $0x4  }
0x9: {  	s7 =	sshrl.u32 s7, $0x3;
	s6 =	ssub.s32 s6, s9;
	s9 =	simm.s32 $0x400  }
0xa: {  	s5 =	sadd.s32 s8, s5;
	s4 =	sadd.s32 s4, s7;
	s6 =	smax.u32 s6, $0x1  }
0xb: {  	s7 =	simm.s32 $0x2;
	s8 =	simm.s32 $0x200;
	s5 =	sadd.s32 $0x400E00, s5  }
.LBB2_1:
0xc: {  	[tilespmem:s2], [sflag:$0x2] =	stream.linear.gather [hbm4b:s4+s2], $0x200, $0x38;
	[tilespmem:$0x4400] =	vst v63  }
0xd: {  	_ =	swait.ge [sflag:s7], $0x200  }
0xe: {  	[sflag:s7] =	ssyncset.done $0x0  }
0xf: {  	[sflag:s7] =	ssyncadd.s32 $0xFFFFFE00  }
0x10: {  	v0 =	vld [tilespmem:s11+$0xFFFFFFE0];
	_ =	sdelay $0x4  }
0x11: {  	v1 =	vshll.u32 v0, $0x2  }
0x12: {  	v2 =	vshrl.u32 v0, $0xE;
	v0 =	vand.u32 $0xFFFF0000, v0;
	v1 =	vand.u32 $0xFFFC, v1  }
0x13: {  	v2 =	vand.u32 $0x3, v2;
	v0 =	vor.u32 v0, v1  }
0x14: {  	s14 =	simm.s32 $0x220;
	v0 =	vor.u32 v2, v0  }
0x15: {  	[tilespmem:s14+$0xFFFFFFE0] =	vst v0  }
0x16: {  	v0 =	vld [tilespmem:s11+$0xFFFFFFF0];
	_ =	sdelay $0x4  }
0x17: {  	v58 =	vshll.u32 v0, $0x2  }
0x18: {  	v59 =	vshrl.u32 v0, $0xE;
	v0 =	vand.u32 $0xFFFF0000, v0;
	v1 =	vand.u32 $0xFFFC, v58  }
0x19: {  	v2 =	vand.u32 $0x3, v59;
	v0 =	vor.u32 v0, v1  }
0x1a: {  	v0 =	vor.u32 v2, v0  }
0x1b: {  	[tilespmem:s14+$0xFFFFFFF0] =	vst v0  }
0x1c: {  	v0 =	vld [tilespmem:s11+$0x0];
	_ =	sdelay $0x4  }
0x1d: {  	v60 =	vshll.u32 v0, $0x2  }
0x1e: {  	v61 =	vshrl.u32 v0, $0xE;
	v0 =	vand.u32 $0xFFFF0000, v0;
	v1 =	vand.u32 $0xFFFC, v60  }
0x1f: {  	v2 =	vand.u32 $0x3, v61;
	v0 =	vor.u32 v0, v1  }
0x20: {  	v0 =	vor.u32 v2, v0  }
0x21: {  	[tilespmem:s14+$0x0] =	vst v0  }
0x22: {  	v0 =	vld [tilespmem:s11+$0x10];
	_ =	sdelay $0x4  }
0x23: {  	v62 =	vshll.u32 v0, $0x2  }
0x24: {  	v63 =	vshrl.u32 v0, $0xE;
	v0 =	vand.u32 $0xFFFF0000, v0;
	v1 =	vand.u32 $0xFFFC, v62  }
0x25: {  	v2 =	vand.u32 $0x3, v63;
	v0 =	vor.u32 v0, v1  }
0x26: {  	v0 =	vor.u32 v2, v0  }
0x27: {  	s15 =	simm.s32 $0x0;
	s16 =	simm.s32 $0x60;
	[tilespmem:s14+$0x10] =	vst v0  }
.LBB2_2:
0x28: {  	v0 =	vld [tilespmem:s16+$0xFFFFFFE0];
	s15 =	sadd.s32 $0x4, s15  }
0x29: {  	p0 =	slt.u32 s15, $0x1C;
	_ =	sdelay $0x3  }
0x2a: {  	v1 =	vshll.u32 v0, $0x2  }
0x2b: {  	v2 =	vshrl.u32 v0, $0xE;
	v0 =	vand.u32 $0xFFFF0000, v0;
	v1 =	vand.u32 $0xFFFC, v1  }
0x2c: {  	v2 =	vand.u32 $0x3, v2;
	v0 =	vor.u32 v0, v1  }
0x2d: {  	s14 =	sadd.s32 $0x40, s14;
	v0 =	vor.u32 v2, v0  }
0x2e: {  	[tilespmem:s14+$0xFFFFFFE0] =	vst v0  }
0x2f: {  	v0 =	vld [tilespmem:s16+$0xFFFFFFF0];
	_ =	sdelay $0x4  }
0x30: {  	v1 =	vshll.u32 v0, $0x2  }
0x31: {  	v2 =	vshrl.u32 v0, $0xE;
	v0 =	vand.u32 $0xFFFF0000, v0;
	v1 =	vand.u32 $0xFFFC, v1  }
0x32: {  	v2 =	vand.u32 $0x3, v2;
	v0 =	vor.u32 v0, v1  }
0x33: {  	v0 =	vor.u32 v2, v0  }
0x34: {  	[tilespmem:s14+$0xFFFFFFF0] =	vst v0  }
0x35: {  	v0 =	vld [tilespmem:s16+$0x0];
	_ =	sdelay $0x4  }
0x36: {  	v1 =	vshll.u32 v0, $0x2  }
0x37: {  	v2 =	vshrl.u32 v0, $0xE;
	v0 =	vand.u32 $0xFFFF0000, v0;
	v1 =	vand.u32 $0xFFFC, v1  }
0x38: {  	v2 =	vand.u32 $0x3, v2;
	v0 =	vor.u32 v0, v1  }
0x39: {  	v0 =	vor.u32 v2, v0  }
0x3a: {  	[tilespmem:s14+$0x0] =	vst v0  }
0x3b: {  	v0 =	vld [tilespmem:s16+$0x10];
	_ =	sdelay $0x4  }
.Ltmp0:
0x3c: {  	v1 =	vshll.u32 v0, $0x2;
	(pc) =	sbr.rel @p0 .LBB2_2-.Ltmp0, $4  }
0x3d: {  	v2 =	vshrl.u32 v0, $0xE;
	v0 =	vand.u32 $0xFFFF0000, v0;
	v1 =	vand.u32 $0xFFFC, v1  }
0x3e: {  	v2 =	vand.u32 $0x3, v2;
	v0 =	vor.u32 v0, v1  }
0x3f: {  	v0 =	vor.u32 v2, v0  }
0x40: {  	s16 =	sadd.s32 $0x40, s16;
	[tilespmem:s14+$0x10] =	vst v0  }
0x41: {  	[tilespmem:s9], [sflag:$0x1] =	stream.indirect.gather [hbm4b:s3+s8], $0x20, s8, s8, $0xb8;
	[tilespmem:$0x4400] =	vst v63  }
0x42: {  	s13 =	sadd.s32 $0x1, s13;
	_ =	swait.ge [sflag:s10], $0x4000  }
0x43: {  	p0 =	sne.s32 s13, s6;
	[sflag:s10] =	ssyncset.done $0x0  }
.Ltmp1:
0x44: {  	[sflag:s10] =	ssyncadd.s32 $0xFFFFC000;
	(pc) =	sbr.rel @p0 .LBB2_1-.Ltmp1, $4  }
0x45: {  	[hbm4b:s5+s11] =	stream.strided.scatter [tilespmem:s9], [sflag:$0x2], $0x4000, s12, s11, $0x38;
	[tilespmem:$0x4400] =	vst v63  }
0x46: {  	_ =	swait.ge [sflag:s7], $0x4000  }
0x47: {  	[sflag:s7] =	ssyncset.done $0x0  }
0x48: {  	[sflag:s7] =	ssyncadd.s32 $0xFFFFC000  }
0x49: {  	_ =	sfence.sel $0x180000  }
0x4a: {  	[bflag:$0x0] =	sbarrier.arrive $0xFFFF  }
0x4b: {  	p0 =	sne.s32 s1, $0x0;
	_ =	strace $0x90000047  }
0x4c: {  	s0 =	sadd.s32 @!p0 $0x100000, s0;
	[bflag:$0x2] =	sbarrier.arrive $0xFFFF  }
0x4d: {  	[sflag:s0] =	ssyncadd.tile.s32 @!p0 $0x1;
	_ =	shalt  }
.Lfunc_end2:
_tile_overlayer_lowered:
.L_overlay_start_2:
0x4e: {  	(tag) =	ssettag $0x2  }
0x4f: {  	s0 =	rddreg [dreg:$0x0];
	s2 =	stileid.u32  }
0x50: {  	s1 =	rddreg [dreg:$0x1];
	p0 =	sne.s32 s2, $0x0  }
0x51: {  	s3 =	rddreg [dreg:$0x2];
	[bflag:$0x3] =	sbarrier.arrive $0xFFFF;
	s2 =	simm.s32 @!p0 $0x1C02  }
0x52: {  	[timem:s3], [sflag:s2] =	dma.local @!p0 [hbm:s0], s1  }
0x53: {  	s0 =	simm.s32 @!p0 $0x2  }
0x54: {  	_ =	swait.ge @!p0 [sflag:s0], s1  }
0x55: {  	s1 =	ssub.s32 @!p0 $0x0, s1;
	[sflag:s0] =	ssyncset.done @!p0 $0x0  }
0x56: {  	[sflag:s0] =	ssyncadd.s32 @!p0 s1  }
0x57: {  	[bflag:$0x3] =	sbarrier.arrive $0xFFFF  }
0x58: {  	_ =	shalt  }

</sc_bundles>
